<compile_context>
chip_gen: v7x
topology: tpu7x:2x2x1
jax: 0.10.2.dev20260603
libtpu: 0.0.44.dev20260713+nightly
codegen_flags: <defaults>
</compile_context>

<pallas_src>
import math

import jax
import jax.numpy as jnp
from jax.experimental import pallas as pl


def _copy_kernel(x_ref, o_ref):
    o_ref[...] = x_ref[...]


def kernel(q, K, V, salience, W1, b1, W2, b2):
    Bq, Tq, Dq = q.shape
    h = jax.nn.relu(jnp.einsum('btd,dh->bth', q, W1) + b1)
    route_weights = jax.nn.softmax(jnp.einsum('bth,hl->btl', h, W2) + b2, axis=-1)
    reads = []
    n_levels = K.shape[0]
    qb = q.astype(jnp.bfloat16)
    Kb = K.astype(jnp.bfloat16)
    for level_idx in range(n_levels):
        Kl = Kb[level_idx]
        Vl = V[level_idx]
        sal = salience[level_idx]
        scores = jnp.einsum('btd,sd->bts', qb, Kl,
                            preferred_element_type=jnp.float32) / math.sqrt(Dq)
        scores = scores + sal[None, None, :]
        topk_scores, topk_idx = jax.lax.top_k(scores, 8)
        attention_weights = jax.nn.softmax(topk_scores, axis=-1)
        V_selected = V[level_idx][topk_idx]
        read_vectors = jnp.einsum('btk,btkd->btd', attention_weights, V_selected)
        level_weight = route_weights[:, :, level_idx:level_idx + 1]
        reads.append(read_vectors * level_weight)
    final_read = jnp.stack(reads, axis=0).sum(axis=0)
    return pl.pallas_call(
        _copy_kernel,
        out_shape=jax.ShapeDtypeStruct(final_read.shape, final_read.dtype),
    )(final_read)

# --- scband reference (transcript-rebuilt; emitter-appended) ---
"""Pipeline reference for scband-hierarchical-memory-bank-850403525371 (READ-ONLY COPY).

The authoritative reference and input builder live on the scoring server;
editing this copy changes nothing except your own understanding.
"""

import jax, jax.numpy as jnp
import numpy as np
import math

B, T, D = 2, 2048, 768
S, L = 8192, 3
TOPK = 8


def setup_inputs(seed: int = 0) -> dict:
    key = jax.random.key(seed)
    ks = jax.random.split(key, 8)
    q = jax.random.normal(ks[0], (B, T, D), dtype=jnp.float32)
    # level banks (xavier-uniform-like scale for K/V)
    lim = math.sqrt(6.0 / (S + D))
    K = jax.random.uniform(ks[1], (L, S, D), dtype=jnp.float32, minval=-lim, maxval=lim)
    V = jax.random.uniform(ks[2], (L, S, D), dtype=jnp.float32, minval=-lim, maxval=lim)
    salience = jnp.zeros((L, S), dtype=jnp.float32)
    # router: Linear(D, D//2) -> ReLU -> Linear(D//2, L) -> Softmax
    H = D // 2
    W1 = jax.random.normal(ks[3], (D, H), dtype=jnp.float32) * (1.0 / math.sqrt(D))
    b1 = jnp.zeros((H,), dtype=jnp.float32)
    W2 = jax.random.normal(ks[4], (H, L), dtype=jnp.float32) * (1.0 / math.sqrt(H))
    b2 = jnp.zeros((L,), dtype=jnp.float32)
    return {"q": q, "K": K, "V": V, "salience": salience, "W1": W1, "b1": b1, "W2": W2, "b2": b2}


def reference(q, K, V, salience, W1, b1, W2, b2):
    # HierarchicalMemoryBank.read(q)
    Bq, Tq, Dq = q.shape
    # router
    h = jax.nn.relu(jnp.einsum('btd,dh->bth', q, W1) + b1)
    route_weights = jax.nn.softmax(jnp.einsum('bth,hl->btl', h, W2) + b2, axis=-1)
    reads = []
    n_levels = K.shape[0]
    for level_idx in range(n_levels):
        Kl = K[level_idx]
        Vl = V[level_idx]
        sal = salience[level_idx]
        scores = jnp.einsum('btd,sd->bts', q, Kl) / math.sqrt(Dq)
        scores = scores + sal[None, None, :]
        k = min(TOPK, scores.shape[-1])
        topk_scores, topk_idx = jax.lax.top_k(scores, k)
        attention_weights = jax.nn.softmax(topk_scores, axis=-1)
        V_selected = Vl[topk_idx]  # gather: [B, T, k, D]
        read_vectors = jnp.einsum('btk,btkd->btd', attention_weights, V_selected)
        level_weight = route_weights[:, :, level_idx:level_idx + 1]
        reads.append(read_vectors * level_weight)
    final_read = jnp.stack(reads, axis=0).sum(axis=0)
    return final_read

if __name__ == "__main__":
    import jax
    _d = setup_inputs()
    print(jax.jit(kernel)(*tuple(_d.values())))

</pallas_src>

<mosaic_0001>
module attributes {stable_mosaic.version = 14 : i64} {
  func.func @_copy_kernel(%arg0: memref<2x2048x768xf32, #tpu.memory_space<vmem>>, %arg1: memref<2x2048x768xf32, #tpu.memory_space<vmem>>) attributes {dimension_semantics = [], scalar_prefetch = 0 : i64, scratch_operands = 0 : i64, tpu.core_type = #tpu.core_type<tc>} {
    %get3A = arith.constant 0 : index
    %get3A_0 = arith.constant 0 : index
    %get3A_1 = arith.constant 0 : index
    %get3A_2 = vector.load %arg0[%get3A, %get3A_0, %get3A_1] : memref<2x2048x768xf32, #tpu.memory_space<vmem>>, vector<2x2048x768xf32>
    %swap3A = arith.constant 0 : index
    %swap3A_3 = arith.constant 0 : index
    %swap3A_4 = arith.constant 0 : index
    %swap3A_5 = vector.load %arg1[%swap3A, %swap3A_3, %swap3A_4] : memref<2x2048x768xf32, #tpu.memory_space<vmem>>, vector<2x2048x768xf32>
    tpu.vector_store %arg1[%swap3A, %swap3A_3, %swap3A_4], %get3A_2 {strides = array<i32>} : memref<2x2048x768xf32, #tpu.memory_space<vmem>>, vector<2x2048x768xf32>,
    return
  }
}

</mosaic_0001>

<sc_bundles>
// kernel: sparse-core-data-format-call.1.cloned.1.call-start
scs
called_computation.1_lowered:
.L_overlay_start_0:
0x0: {  	s1 =	sld [smem:$0x3FD9]  }
0x1: {  	s2 =	sld [smem:$0x3FFE];
	_ =	sdelay $0x1  }
0x2: {  	s3 =	srdreg.scid  }
0x3: {  	s0 =	sand.u32 $0x1, s3  }
0x4: {  	s17 =	sshll.u32 s0, $0xA;
	s1 =	sadd.s32 s2, s1  }
0x5: {  	s1 =	sadd.s32 s1, s17  }
0x6: {  	[smem:$0x3FC0] =	sst s1  }
0x7: {  	_ = 	snop  }
0x8: {  	(tm) =	ssettm $0x1  }
0x9: {  	s18 =	sld [smem:$0x3FFB];
	_ =	sdelay $0x3  }
0xa: {  	_ =	strace s18  }
0xb: {  	s1 =	sld [smem:$0x3FFC];
	_ =	sdelay $0x3  }
0xc: {  	_ =	strace s1  }
0xd: {  	s1 =	sld [smem:$0x3FFD];
	_ =	sdelay $0x3  }
0xe: {  	_ =	strace s1  }
0xf: {  	_ =	strace $0x8FFFFFFF  }
0x10: {  	s19 =	sld [smem:$0x3FDB];
	_ =	sdelay $0x1  }
0x11: {  	s20 =	simm.s32 $_scs_section_size  }
0x12: {  	s4 =	simm.s32 $_size__tile_overlayer_lowered;
	s5 =	simm.s32 $_tile_overlayer_lowered  }
0x13: {  	s23 =	simm.s32 $0x1BFF;
	s22 =	sshll.u32 s5, $0x1;
	s1 =	sadd.s32 s20, s19  }
0x14: {  	s6 =	simm.s32 $0x0;
	s21 =	sshll.u32 s4, $0x1;
	s4 =	sadd.s32 s22, s1  }
0x15: {  	[timem:s6], [sflag:s23] =	dma.local [hbm:s4], s21  }
0x16: {  	_ =	swait.ge [sflag:s23], s21  }
0x17: {  	s2 =	ssub.s32 $0x0, s21;
	[sflag:s23] =	ssyncset.done $0x0  }
0x18: {  	[sflag:s23] =	ssyncadd.s32 s2;
	_ =	sdelay $0x1  }
0x19: {  	s24 =	simm.s32 $0x1B8B  }
0x1a: {  	_ =	swait.ge [sflag:s24], $0x1  }
0x1b: {  	[sflag:s24] =	ssyncset.done $0x0  }
0x1c: {  	s26 =	simm.s32 $0x1B8E;
	s25 =	sld [smem:$0x3FFE];
	[sflag:s24] =	ssyncadd.s32 $0xFFFFFFFF  }
0x1d: {  	s27 =	simm.s32 $execute0_lowered;
	[smem:$0x3FD2] =	sst s26  }
0x1e: {  	s4 =	sshll.u32 s27, $0x1;
	_ =	strace $0x80000046;
	[dreg:$0x1] =	wrdreg $0xFFFFFFFF  }
0x1f: {  	s28 =	simm.s32 $_size_execute0_lowered;
	s1 =	sadd.s32 s1, s4;
	[dreg:$0x0] =	wrdreg $0x0  }
0x20: {  	s4 =	sshll.u32 s28, $0x1;
	[dreg:$0x2] =	wrdreg s1  }
0x21: {  	[dreg:$0x3] =	wrdreg s4  }
0x22: {  	[dreg:$0x4] =	wrdreg $0xC0  }
0x23: {  	_ =	task [dreg:s6], $0x5FFFF  }
0x24: {  	[dreg:$0x1] =	wrdreg $0xFFFFFFFF  }
0x25: {  	[dreg:$0x0] =	wrdreg $0x60  }
0x26: {  	[dreg:$0x2] =	wrdreg s25  }
0x27: {  	[dreg:$0x3] =	wrdreg $0xA  }
0x28: {  	_ =	task.clear_ibuf [dreg:s6], $0x4FFFF;
	_ =	strace $0x90000046  }
0x29: {  	s29 =	simm.s32 $0xA;
	_ =	strace $0x80000048  }
0x2a: {  	_ =	swait.ge [sflag:s29], $0x1  }
0x2b: {  	[sflag:s29] =	ssyncadd.s32 $0xFFFFFFFF  }
0x2c: {  	_ =	strace $0x90000048  }
0x2d: {  	_ =	sfence  }
0x2e: {  	s30 =	sld [smem:$0x0];
	_ =	sdelay $0x2  }
0x2f: {  	s31 =	sshll.u32 s3, $0xD;
	s3 =	sshrl.u32 s3, $0x2  }
0x30: {  	s2 =	sand.u32 $0x4000, s31;
	s1 =	sadd.s32 s3, s30  }
0x31: {  	s0 =	sor.u32 s2, s0;
	s1 =	sshll.u32 s1, $0x11  }
0x32: {  	s0 =	sor.u32 s1, s0  }
0x33: {  	s0 =	sadd.s32 $0x8F2B, s0  }
0x34: {  	[sflag:s0] =	ssyncadd.remote.s32 $0x1  }
0x35: {  	_ =	sfence.sel $0xFFFF  }
0x36: {  	[dreg:$0x0] =	wrdreg $0xFFFFFFFF;
	(pc) =	sbr.abs _section_cstart, $3  }
0x37: {  	[dreg:$0x1] =	wrdreg $0xFFFFFFFF  }
0x38: {  	_ =	task.clear_ibuf [dreg:s6], $0x2FFFF;
	_ =	strace $0x9FFFFFFF  }
0x39: {  	(tm) =	ssettm $0x7FFFFFFF  }
tec
execute0_lowered:
.L_overlay_start_1:
0x0: {  	(tag) =	ssettag $0x1  }
0x1: {  	s0 =	stileid.u32  }
0x2: {  	s1 =	srdreg.scid;
	s5 =	rddreg [dreg:$0x0];
	s31 =	simm.s32 $0x2  }
0x3: {  	s16 =	simm.s32 $0x0;
	s2 =	sshll.u32 s0, $0x6;
	s1 =	sshll.u32 s1, $0xA  }
0x4: {  	s9 =	simm.s32 $0x4000;
	s14 =	simm.s32 $0x0;
	s1 =	sor.u32 s2, s1  }
0x5: {  	s15 =	simm.s32 $0x0;
	s10 =	simm.s32 $0x0;
	s1 =	sand.u32 $0x780, s1  }
0x6: {  	s13 =	simm.s32 $0x0;
	s2 =	sand.u32 $0x1, s0;
	s3 =	ssub.s32 $0x800, s1  }
0x7: {  	s4 =	ssub.s32 $0x2, s2;
	s12 =	smov.u32 s2;
	s6 =	sand.u32 $0x780, s3  }
0x8: {  	s7 =	sshrl.u32 s4, $0x1;
	p0 =	sne.s32 s6, $0x0;
	s6 =	simm.s32 $0x1  }
0x9: {  	s4 =	sand.u32 $0x1, s4;
	s8 =	sshrl.u32 s3, $0xB;
	s6 =	simm.s32 @!p0 $0x0  }
.Ltmp0:
0xa: {  	s4 =	sadd.s32 s4, s7;
	s6 =	sadd.s32 s6, s8;
	(pc) =	sbr.rel .LBB1_1-.Ltmp0, $4  }
0xb: {  	s11 =	smov.u32 s1;
	s3 =	rddreg [dreg:$0x1];
	s7 =	smul.u32 s6, s4  }
0xc: {  	_ =	strace $0x80000047;
	p0 =	por $0x0, $0x0;
	s6 =	simm.s32 $0x1  }
0xd: {  	s4 =	sadd.s32 $0x120400, s5;
	[sflag:s6] =	ssyncpa.u1 $0x0;
	s7 =	sshll.u32 s7, $0x6  }
0xe: {  	s5 =	sadd.s32 $0x520400, s5;
	[sflag:s31] =	ssyncpa.u1 $0x0;
	s8 =	sor.u32 $0x1, s7  }
.LBB1_4:
0xf: {  	v5 =	vld [tilespmem:s19+$0xFFFFFFD0]  }
0x10: {  	[tilespmem:s20+$0x2040 ss:$0x81] =	vst.msk $0xffff, v1;
	v58 =	vld [tilespmem:s19+$0xFFFFFFE0]  }
0x11: {  	[tilespmem:s20+$0x2850 ss:$0x81] =	vst.msk $0xffff, v2;
	v59 =	vld [tilespmem:s19+$0xFFFFFFF0]  }
0x12: {  	s21 =	sshra.s32 s21, $0x2;
	[tilespmem:s20+$0x3060 ss:$0x81] =	vst.msk $0xffff, v3;
	v60 =	vld [tilespmem:s19+$0x0]  }
0x13: {  	[tilespmem:s20+$0x0 ss:$0x81] =	vst.msk $0xffff, v0;
	v61 =	vld [tilespmem:s19+$0x10];
	s18 =	sadd.s32 s21, s18  }
0x14: {  	s26 =	sshll.u32 s16, $0xB;
	v62 =	vld [tilespmem:s19+$0x20];
	[tilespmem:s18+$0x3870 ss:$0x81] =	vst.msk $0xffff, v4  }
0x15: {  	s27 =	sand.u32 $0x78, s14;
	s22 =	sshll.u32 s14, $0x3;
	v63 =	vld [tilespmem:s19+$0xFFFFFFC0];
	s29 =	sshll.u32 s16, $0x7;
	[tilespmem:s18+$0x810 ss:$0x81] =	vst.msk $0xffff, v5  }
0x16: {  	s15 =	sshll.u32 s15, $0x15;
	s20 =	sand.u32 $0xFFC000, s26;
	s28 =	sand.u32 $0xFFFC00, s22;
	[tilespmem:s18+$0x1020 ss:$0x81] =	vst.msk $0xffff, v58  }
0x17: {  	s31 =	sand.u32 $0x7, s14;
	s22 =	sand.u32 $0x400, s22;
	s19 =	sadd.s32 s28, s20;
	[tilespmem:s18+$0x1830 ss:$0x81] =	vst.msk $0xffff, v59  }
0x18: {  	s16 =	sand.u32 $0x380, s29;
	s30 =	sor.u32 s27, s22;
	s19 =	sshrl.u32 s19, $0x3;
	[tilespmem:s18+$0x2040 ss:$0x81] =	vst.msk $0xffff, v60  }
0x19: {  	s15 =	sadd.s32 s5, s15;
	s16 =	sor.u32 s16, s30;
	s19 =	sand.u32 $0x1FFF00, s19;
	[tilespmem:s18+$0x2850 ss:$0x81] =	vst.msk $0xffff, v61  }
0x1a: {  	s14 =	sshll.u32 s31, $0x12;
	s16 =	sshrl.u32 s16, $0x3;
	[tilespmem:s18+$0x3060 ss:$0x81] =	vst.msk $0xffff, v62;
	s15 =	sadd.s32 s19, s15  }
0x1b: {  	s14 =	sor.u32 $0x400, s14;
	[tilespmem:s18+$0x0 ss:$0x81] =	vst.msk $0xffff, v63;
	s15 =	sadd.s32 s16, s15  }
0x1c: {  	[hbm4b:s15+s14] =	stream.strided.scatter [tilespmem:s17], [sflag:$0x2], $0x4000, s9, s14, $0x20;
	[tilespmem:$0x10100] =	vst v63  }
.LBB1_5:
0x1d: {  	s17 =	sadd.s32 $0x80, s10  }
0x1e: {  	s14 =	sadd.s32 $0x800, s11;
	s18 =	smov.u32 s11;
	p2 =	sgt.s32 s17, $0x1FFF  }
0x1f: {  	s18 =	smov.u32 @p2 s14  }
0x20: {  	s20 =	smov.u32 s12;
	s14 =	sadd.s32 $0x2, s12;
	p3 =	sgt.s32 s18, $0x7FF  }
0x21: {  	s20 =	smov.u32 @p3 s14  }
0x22: {  	s17 =	simm.s32 @p2 $0x0;
	p2 =	sgt.s32 s20, $0x1  }
0x23: {  	p1 =	slt.u32 s13, $0x2;
	s20 =	smov.u32 @p2 s2;
	p2 =	sne.s32 s13, s8  }
.Ltmp1:
0x24: {  	s19 =	simm.s32 @!p1 $0x2;
	(pc) =	sbr.rel @!p2 .LBB1_6-.Ltmp1, $4  }
0x25: {  	s16 =	smov.u32 s10;
	s15 =	smov.u32 s12;
	_ =	swait.ge @!p1 [sflag:s19], $0x4000  }
0x26: {  	p0 =	por !p0, !p0;
	[sflag:s19] =	ssyncset.done @!p1 $0x0;
	s10 =	smov.u32 s17  }
0x27: {  	s18 =	smov.u32 @p3 s1;
	s14 =	smov.u32 s11;
	[sflag:s19] =	ssyncadd.s32 @!p1 $0xFFFFC000  }
0x28: {  	s11 =	smov.u32 s18;
	s13 =	sadd.s32 $0x1, s13;
	s12 =	smov.u32 s20  }
.LBB1_1:
0x29: {  	p1 =	sge.u32 s13, s7;
	s31 =	sadd.s32 $0xFFFFFFFF, s13  }
0x2a: {  	s17 =	sxor.u32 @!p1 $0xFFFFFFFF, s13;
	s18 =	sand.u32 @!p1 $0x78, s10;
	s19 =	sshll.u32 @!p1 s11, $0xD  }
0x2b: {  	s20 =	sshll.u32 @!p1 s11, $0x7;
	s21 =	sshll.u32 @!p1 s10, $0x3;
	s17 =	sshll.u32 @!p1 s17, $0xE  }
0x2c: {  	s19 =	sand.u32 @!p1 $0xFF0000, s19;
	s20 =	sand.u32 @!p1 $0x380, s20;
	s17 =	sand.u32 @!p1 $0x4000, s17  }
0x2d: {  	s19 =	sadd.s32 @!p1 s19, s21;
	s21 =	sand.u32 @!p1 $0x1C00, s21;
	s18 =	sor.u32 @!p1 s20, s18  }
0x2e: {  	s20 =	sshll.u32 @!p1 s12, $0x15;
	s18 =	sor.u32 @!p1 s21, s18;
	s19 =	sshrl.u32 @!p1 s19, $0x3  }
0x2f: {  	s20 =	sadd.s32 @!p1 s4, s20;
	s21 =	sand.u32 @!p1 $0x7, s10;
	s19 =	sand.u32 @!p1 $0x1FFC00, s19  }
0x30: {  	s18 =	sshrl.u32 @!p1 s18, $0x3;
	s19 =	sadd.s32 @!p1 s19, s20;
	s20 =	sshll.u32 @!p1 s21, $0x12  }
0x31: {  	s18 =	sadd.s32 @!p1 s18, s19;
	s19 =	sor.u32 @!p1 $0x400, s20;
	s20 =	simm.s32 @!p1 $0x10000  }
0x32: {  	[tilespmem:s17], [sflag:$0x1] =	stream.strided.gather @!p1 [hbm4b:s18+s19], $0x4000, s20, s19, $0x38;
	[tilespmem:$0x10100] =	vst v63  }
0x33: {  	p1 =	sge.u32 s31, s7  }
.Ltmp2:
0x34: {  	_ = 	snop;
	(pc) =	sbr.rel @p1 .LBB1_5-.Ltmp2, $1  }
0x35: {  	_ =	sdelay $0x3  }
0x36: {  	s17 =	simm.s32 $0x1  }
0x37: {  	_ =	swait.ge [sflag:s6], $0x4000;
	s17 =	simm.s32 @!p0 $0x0  }
0x38: {  	[sflag:s6] =	ssyncset.done $0x0;
	s18 =	sshll.u32 s17, $0xE  }
0x39: {  	[sflag:s6] =	ssyncadd.s32 $0xFFFFC000;
	s19 =	sor.u32 $0x40, s18  }
0x3a: {  	s17 =	smul.u32 $0x10200, s17;
	v0 =	vld [tilespmem:s19+$0x30]  }
0x3b: {  	v3 =	vld [tilespmem:s19+$0xFFFFFFD0]  }
0x3c: {  	s17 =	sshrl.u32 s17, $0x2;
	v4 =	vld [tilespmem:s19+$0xFFFFFFE0]  }
0x3d: {  	v5 =	vld [tilespmem:s19+$0xFFFFFFF0];
	s18 =	sor.u32 $0x8000, s17  }
0x3e: {  	s31 =	sand.u32 $0x1, s13;
	v1 =	vld [tilespmem:s19+$0x0];
	s20 =	sadd.s32 $0x0, s18  }
0x3f: {  	v2 =	vld [tilespmem:s19+$0x10];
	s17 =	smul.u32 $0x10200, s31;
	[tilespmem:s20+$0x3870 ss:$0x81] =	vst.msk $0xffff, v0  }
0x40: {  	[tilespmem:s20+$0x810 ss:$0x81] =	vst.msk $0xffff, v3;
	v3 =	vld [tilespmem:s19+$0x20]  }
0x41: {  	s17 =	sshrl.u32 s17, $0x2;
	v0 =	vld [tilespmem:s19+$0xFFFFFFC0];
	[tilespmem:s20+$0x1020 ss:$0x81] =	vst.msk $0xffff, v4;
	s19 =	sadd.s32 $0x80, s19  }
0x42: {  	s21 =	simm.s32 $0x4;
	s22 =	simm.s32 $0x8;
	s17 =	sor.u32 $0x8000, s17;
	[tilespmem:s20+$0x1830 ss:$0x81] =	vst.msk $0xffff, v5;
	v4 =	vld [tilespmem:s19+$0x30]  }
.LBB1_3:
0x43: {  	p1 =	sne.s32 s22, $0x1FC;
	v5 =	vld [tilespmem:s19+$0xFFFFFFD0];
	[tilespmem:s20+$0x2040 ss:$0x81] =	vst.msk $0xffff, v1  }
0x44: {  	v6 =	vld [tilespmem:s19+$0xFFFFFFE0];
	[tilespmem:s20+$0x2850 ss:$0x81] =	vst.msk $0xffff, v2  }
0x45: {  	s23 =	sshra.s32 s21, $0x2;
	s21 =	smov.u32 s22;
	v7 =	vld [tilespmem:s19+$0xFFFFFFF0];
	[tilespmem:s20+$0x3060 ss:$0x81] =	vst.msk $0xffff, v3  }
.Ltmp3:
0x46: {  	v1 =	vld [tilespmem:s19+$0x0];
	[tilespmem:s20+$0x0 ss:$0x81] =	vst.msk $0xffff, v0;
	s20 =	sadd.s32 s23, s18;
	(pc) =	sbr.rel @p1 .LBB1_3-.Ltmp3, $4  }
0x47: {  	v2 =	vld [tilespmem:s19+$0x10];
	[tilespmem:s20+$0x3870 ss:$0x81] =	vst.msk $0xffff, v4  }
0x48: {  	[tilespmem:s20+$0x810 ss:$0x81] =	vst.msk $0xffff, v5;
	v3 =	vld [tilespmem:s19+$0x20]  }
0x49: {  	v0 =	vld [tilespmem:s19+$0xFFFFFFC0];
	[tilespmem:s20+$0x1020 ss:$0x81] =	vst.msk $0xffff, v6;
	s19 =	sadd.s32 $0x80, s19  }
0x4a: {  	s22 =	sadd.s32 $0x4, s22;
	v4 =	vld [tilespmem:s19+$0x30];
	[tilespmem:s20+$0x1830 ss:$0x81] =	vst.msk $0xffff, v7  }
.Ltmp4:
0x4b: {  	_ = 	snop;
	(pc) =	sbr.rel .LBB1_4-.Ltmp4, $1  }
0x4c: {  	_ =	sdelay $0x3  }
.LBB1_6:
0x4d: {  	_ =	sfence.sel $0x180000  }
0x4e: {  	s1 =	simm.s32 $0x1;
	[bflag:$0x0] =	sbarrier.arrive $0xFFFF  }
0x4f: {  	s31 =	simm.s32 $0x2;
	[sflag:s1] =	ssyncpa.u1 $0x1  }
0x50: {  	[sflag:s31] =	ssyncpa.u1 $0x1  }
0x51: {  	p0 =	sne.s32 s0, $0x0;
	_ =	strace $0x90000047  }
0x52: {  	s0 =	sadd.s32 @!p0 $0x100000, s3;
	[bflag:$0x2] =	sbarrier.arrive $0xFFFF  }
0x53: {  	[sflag:s0] =	ssyncadd.tile.s32 @!p0 $0x1;
	_ =	shalt  }
.Lfunc_end1:
_tile_overlayer_lowered:
.L_overlay_start_2:
0x54: {  	(tag) =	ssettag $0x2  }
0x55: {  	s0 =	rddreg [dreg:$0x0];
	s2 =	stileid.u32  }
0x56: {  	s1 =	rddreg [dreg:$0x1];
	p0 =	sne.s32 s2, $0x0  }
0x57: {  	s3 =	rddreg [dreg:$0x2];
	[bflag:$0x3] =	sbarrier.arrive $0xFFFF;
	s2 =	simm.s32 @!p0 $0x1C01  }
0x58: {  	[timem:s3], [sflag:s2] =	dma.local @!p0 [hbm:s0], s1  }
0x59: {  	s0 =	simm.s32 @!p0 $0x1  }
0x5a: {  	_ =	swait.ge @!p0 [sflag:s0], s1  }
0x5b: {  	s1 =	ssub.s32 @!p0 $0x0, s1;
	[sflag:s0] =	ssyncset.done @!p0 $0x0  }
0x5c: {  	[sflag:s0] =	ssyncadd.s32 @!p0 s1  }
0x5d: {  	[bflag:$0x3] =	sbarrier.arrive $0xFFFF  }
0x5e: {  	_ =	shalt  }

// kernel: sparse-core-data-format-call.2.cloned.1.call-start
scs
called_computation.2_lowered:
.L_overlay_start_0:
0x0: {  	s2 =	sld [smem:$0x3FD9]  }
0x1: {  	s3 =	sld [smem:$0x3FFE];
	_ =	sdelay $0x1  }
0x2: {  	s1 =	srdreg.scid  }
0x3: {  	s0 =	sand.u32 $0x1, s1  }
0x4: {  	s18 =	sshll.u32 s0, $0xA;
	s2 =	sadd.s32 s3, s2  }
0x5: {  	s2 =	sadd.s32 s2, s18  }
0x6: {  	[smem:$0x3FC0] =	sst s2  }
0x7: {  	_ = 	snop  }
0x8: {  	(tm) =	ssettm $0x1  }
0x9: {  	s19 =	sld [smem:$0x3FFB];
	_ =	sdelay $0x3  }
0xa: {  	_ =	strace s19  }
0xb: {  	s2 =	sld [smem:$0x3FFC];
	_ =	sdelay $0x3  }
0xc: {  	_ =	strace s2  }
0xd: {  	s2 =	sld [smem:$0x3FFD];
	_ =	sdelay $0x3  }
0xe: {  	_ =	strace s2  }
0xf: {  	_ =	strace $0x8FFFFFFF  }
0x10: {  	s20 =	sld [smem:$0x3FDB];
	_ =	sdelay $0x1  }
0x11: {  	s21 =	simm.s32 $_scs_section_size  }
0x12: {  	s4 =	simm.s32 $_size__tile_overlayer_lowered;
	s5 =	simm.s32 $_tile_overlayer_lowered  }
0x13: {  	s6 =	simm.s32 $0x1BFF;
	s22 =	sshll.u32 s5, $0x1;
	s3 =	sadd.s32 s21, s20  }
0x14: {  	s23 =	simm.s32 $0x0;
	s4 =	sshll.u32 s4, $0x1;
	s5 =	sadd.s32 s22, s3  }
0x15: {  	[timem:s23], [sflag:s6] =	dma.local [hbm:s5], s4  }
0x16: {  	_ =	swait.ge [sflag:s6], s4  }
0x17: {  	s4 =	ssub.s32 $0x0, s4;
	[sflag:s6] =	ssyncset.done $0x0  }
0x18: {  	[sflag:s6] =	ssyncadd.s32 s4;
	_ =	sdelay $0x1  }
0x19: {  	s24 =	simm.s32 $0x1B8B  }
0x1a: {  	_ =	swait.ge [sflag:s24], $0x1  }
0x1b: {  	[sflag:s24] =	ssyncset.done $0x0  }
0x1c: {  	[sflag:s24] =	ssyncadd.s32 $0xFFFFFFFF  }
0x1d: {  	s4 =	sld [smem:$0x0]  }
0x1e: {  	s5 =	sand.u32 $0xFFFFFFFE, s1  }
0x1f: {  	p0 =	sne.s32 s1, s5  }
0x20: {  	s5 =	sshll.u32 @p0 s5, $0xE  }
0x21: {  	s5 =	sadd.s32 @p0 $0x11B8D, s5;
	s6 =	sshll.u32 @p0 s4, $0x11  }
0x22: {  	s5 =	sor.u32 @p0 s6, s5  }
0x23: {  	[sflag:s5] =	ssyncadd.remote.s32 @p0 $0x1;
	_ =	sdelay $0x1  }
0x24: {  	s5 =	simm.s32 @p0 $0x1B8D  }
0x25: {  	_ =	swait.eq @p0 [sflag:s5], $0x1  }
0x26: {  	[sflag:s5] =	ssyncadd.s32 @p0 $0xFFFFFFFF  }
0x27: {  	s6 =	sshll.u32 @!p0 s1, $0xE  }
0x28: {  	s6 =	sor.u32 @!p0 $0x4000, s6;
	s5 =	simm.s32 @!p0 $0x1B8D  }
0x29: {  	s4 =	sshll.u32 @!p0 s4, $0x11;
	s6 =	sadd.s32 @!p0 $0x11B8D, s6;
	_ =	swait.eq @!p0 [sflag:s5], $0x1  }
0x2a: {  	s4 =	sor.u32 @!p0 s4, s6;
	[sflag:s5] =	ssyncadd.s32 @!p0 $0xFFFFFFFF  }
0x2b: {  	s26 =	simm.s32 $0x1B8E;
	s25 =	sld [smem:$0x3FFE];
	[sflag:s4] =	ssyncadd.remote.s32 @!p0 $0x1  }
0x2c: {  	s27 =	simm.s32 $execute0_lowered;
	[smem:$0x3FD2] =	sst s26  }
0x2d: {  	s5 =	sshll.u32 s27, $0x1;
	_ =	strace $0x80000049;
	[dreg:$0x1] =	wrdreg $0xFFFFFFFF  }
0x2e: {  	s28 =	simm.s32 $_size_execute0_lowered;
	s3 =	sadd.s32 s3, s5;
	[dreg:$0x0] =	wrdreg $0x0  }
0x2f: {  	s5 =	sshll.u32 s28, $0x1;
	[dreg:$0x2] =	wrdreg s3  }
0x30: {  	[dreg:$0x3] =	wrdreg s5  }
0x31: {  	[dreg:$0x4] =	wrdreg $0xC0  }
0x32: {  	_ =	task [dreg:s23], $0x5FFFF  }
0x33: {  	[dreg:$0x1] =	wrdreg $0xFFFFFFFF  }
0x34: {  	[dreg:$0x0] =	wrdreg $0x60  }
0x35: {  	[dreg:$0x2] =	wrdreg s25  }
0x36: {  	[dreg:$0x3] =	wrdreg $0xB  }
0x37: {  	_ =	task.clear_ibuf [dreg:s23], $0x4FFFF;
	_ =	strace $0x90000049  }
0x38: {  	s29 =	simm.s32 $0xB;
	_ =	strace $0x8000004B  }
0x39: {  	_ =	swait.ge [sflag:s29], $0x1  }
0x3a: {  	[sflag:s29] =	ssyncadd.s32 $0xFFFFFFFF  }
0x3b: {  	_ =	strace $0x9000004B  }
0x3c: {  	_ =	sfence  }
0x3d: {  	s30 =	sld [smem:$0x0];
	_ =	sdelay $0x2  }
0x3e: {  	s31 =	sshll.u32 s1, $0xD;
	s1 =	sshrl.u32 s1, $0x2  }
0x3f: {  	s4 =	sand.u32 $0x4000, s31;
	s1 =	sadd.s32 s1, s30  }
0x40: {  	s0 =	sor.u32 s4, s0;
	s1 =	sshll.u32 s1, $0x11  }
0x41: {  	s0 =	sor.u32 s1, s0  }
0x42: {  	s0 =	sadd.s32 $0x8F2B, s0  }
0x43: {  	[sflag:s0] =	ssyncadd.remote.s32 $0x1  }
0x44: {  	_ =	sfence.sel $0xFFFF  }
0x45: {  	[dreg:$0x0] =	wrdreg $0xFFFFFFFF;
	(pc) =	sbr.abs _section_cstart, $3  }
0x46: {  	[dreg:$0x1] =	wrdreg $0xFFFFFFFF  }
0x47: {  	_ =	task.clear_ibuf [dreg:s23], $0x2FFFF;
	_ =	strace $0x9FFFFFFF  }
0x48: {  	(tm) =	ssettm $0x7FFFFFFF  }
0x49: {  	_ =	shalt  }
tec
execute0_lowered:
.L_overlay_start_1:
0x0: {  	(tag) =	ssettag $0x1  }
0x1: {  	s0 =	stileid.u32  }
0x2: {  	s1 =	srdreg.scid;
	s5 =	rddreg [dreg:$0x0];
	s31 =	simm.s32 $0x2  }
0x3: {  	s16 =	simm.s32 $0x0;
	s2 =	sshll.u32 s0, $0x6;
	s1 =	sshll.u32 s1, $0xA  }
0x4: {  	s9 =	simm.s32 $0x4000;
	s14 =	simm.s32 $0x0;
	s1 =	sor.u32 s2, s1  }
0x5: {  	s15 =	simm.s32 $0x0;
	s10 =	simm.s32 $0x0;
	s1 =	sand.u32 $0x780, s1  }
0x6: {  	s13 =	simm.s32 $0x0;
	s2 =	sand.u32 $0x1, s0;
	s3 =	ssub.s32 $0x800, s1  }
0x7: {  	s4 =	ssub.s32 $0x2, s2;
	s12 =	smov.u32 s2;
	s6 =	sand.u32 $0x780, s3  }
0x8: {  	s7 =	sshrl.u32 s4, $0x1;
	p0 =	sne.s32 s6, $0x0;
	s6 =	simm.s32 $0x1  }
0x9: {  	s4 =	sand.u32 $0x1, s4;
	s8 =	sshrl.u32 s3, $0xB;
	s6 =	simm.s32 @!p0 $0x0  }
.Ltmp0:
0xa: {  	s4 =	sadd.s32 s4, s7;
	s6 =	sadd.s32 s6, s8;
	(pc) =	sbr.rel .LBB1_1-.Ltmp0, $4  }
0xb: {  	s11 =	smov.u32 s1;
	s3 =	rddreg [dreg:$0x1];
	s7 =	smul.u32 s6, s4  }
0xc: {  	_ =	strace $0x8000004A;
	p0 =	por $0x0, $0x0;
	s6 =	simm.s32 $0x1  }
0xd: {  	s4 =	sadd.s32 $0x920400, s5;
	[sflag:s6] =	ssyncpa.u1 $0x0;
	s7 =	sshll.u32 s7, $0x6  }
0xe: {  	s5 =	sadd.s32 $0xD20400, s5;
	[sflag:s31] =	ssyncpa.u1 $0x0;
	s8 =	sor.u32 $0x1, s7  }
.LBB1_4:
0xf: {  	v5 =	vld [tilespmem:s19+$0xFFFFFFD0]  }
0x10: {  	[tilespmem:s20+$0x2040 ss:$0x81] =	vst.msk $0xffff, v1;
	v58 =	vld [tilespmem:s19+$0xFFFFFFE0]  }
0x11: {  	[tilespmem:s20+$0x2850 ss:$0x81] =	vst.msk $0xffff, v2;
	v59 =	vld [tilespmem:s19+$0xFFFFFFF0]  }
0x12: {  	s21 =	sshra.s32 s21, $0x2;
	[tilespmem:s20+$0x3060 ss:$0x81] =	vst.msk $0xffff, v3;
	v60 =	vld [tilespmem:s19+$0x0]  }
0x13: {  	[tilespmem:s20+$0x0 ss:$0x81] =	vst.msk $0xffff, v0;
	v61 =	vld [tilespmem:s19+$0x10];
	s18 =	sadd.s32 s21, s18  }
0x14: {  	s26 =	sshll.u32 s16, $0xB;
	v62 =	vld [tilespmem:s19+$0x20];
	[tilespmem:s18+$0x3870 ss:$0x81] =	vst.msk $0xffff, v4  }
0x15: {  	s27 =	sand.u32 $0x78, s14;
	s22 =	sshll.u32 s14, $0x3;
	v63 =	vld [tilespmem:s19+$0xFFFFFFC0];
	s29 =	sshll.u32 s16, $0x7;
	[tilespmem:s18+$0x810 ss:$0x81] =	vst.msk $0xffff, v5  }
0x16: {  	s15 =	sshll.u32 s15, $0x15;
	s20 =	sand.u32 $0xFFC000, s26;
	s28 =	sand.u32 $0xFFFC00, s22;
	[tilespmem:s18+$0x1020 ss:$0x81] =	vst.msk $0xffff, v58  }
0x17: {  	s31 =	sand.u32 $0x7, s14;
	s22 =	sand.u32 $0x400, s22;
	s19 =	sadd.s32 s28, s20;
	[tilespmem:s18+$0x1830 ss:$0x81] =	vst.msk $0xffff, v59  }
0x18: {  	s16 =	sand.u32 $0x380, s29;
	s30 =	sor.u32 s27, s22;
	s19 =	sshrl.u32 s19, $0x3;
	[tilespmem:s18+$0x2040 ss:$0x81] =	vst.msk $0xffff, v60  }
0x19: {  	s15 =	sadd.s32 s5, s15;
	s16 =	sor.u32 s16, s30;
	s19 =	sand.u32 $0x1FFF00, s19;
	[tilespmem:s18+$0x2850 ss:$0x81] =	vst.msk $0xffff, v61  }
0x1a: {  	s14 =	sshll.u32 s31, $0x12;
	s16 =	sshrl.u32 s16, $0x3;
	[tilespmem:s18+$0x3060 ss:$0x81] =	vst.msk $0xffff, v62;
	s15 =	sadd.s32 s19, s15  }
0x1b: {  	s14 =	sor.u32 $0x400, s14;
	[tilespmem:s18+$0x0 ss:$0x81] =	vst.msk $0xffff, v63;
	s15 =	sadd.s32 s16, s15  }
0x1c: {  	[hbm4b:s15+s14] =	stream.strided.scatter [tilespmem:s17], [sflag:$0x2], $0x4000, s9, s14, $0x20;
	[tilespmem:$0x10100] =	vst v63  }
.LBB1_5:
0x1d: {  	s17 =	sadd.s32 $0x80, s10  }
0x1e: {  	s14 =	sadd.s32 $0x800, s11;
	s18 =	smov.u32 s11;
	p2 =	sgt.s32 s17, $0x1FFF  }
0x1f: {  	s18 =	smov.u32 @p2 s14  }
0x20: {  	s20 =	smov.u32 s12;
	s14 =	sadd.s32 $0x2, s12;
	p3 =	sgt.s32 s18, $0x7FF  }
0x21: {  	s20 =	smov.u32 @p3 s14  }
0x22: {  	s17 =	simm.s32 @p2 $0x0;
	p2 =	sgt.s32 s20, $0x1  }
0x23: {  	p1 =	slt.u32 s13, $0x2;
	s20 =	smov.u32 @p2 s2;
	p2 =	sne.s32 s13, s8  }
.Ltmp1:
0x24: {  	s19 =	simm.s32 @!p1 $0x2;
	(pc) =	sbr.rel @!p2 .LBB1_6-.Ltmp1, $4  }
0x25: {  	s16 =	smov.u32 s10;
	s15 =	smov.u32 s12;
	_ =	swait.ge @!p1 [sflag:s19], $0x4000  }
0x26: {  	p0 =	por !p0, !p0;
	[sflag:s19] =	ssyncset.done @!p1 $0x0;
	s10 =	smov.u32 s17  }
0x27: {  	s18 =	smov.u32 @p3 s1;
	s14 =	smov.u32 s11;
	[sflag:s19] =	ssyncadd.s32 @!p1 $0xFFFFC000  }
0x28: {  	s11 =	smov.u32 s18;
	s13 =	sadd.s32 $0x1, s13;
	s12 =	smov.u32 s20  }
.LBB1_1:
0x29: {  	p1 =	sge.u32 s13, s7;
	s31 =	sadd.s32 $0xFFFFFFFF, s13  }
0x2a: {  	s17 =	sxor.u32 @!p1 $0xFFFFFFFF, s13;
	s18 =	sand.u32 @!p1 $0x78, s10;
	s19 =	sshll.u32 @!p1 s11, $0xD  }
0x2b: {  	s20 =	sshll.u32 @!p1 s11, $0x7;
	s21 =	sshll.u32 @!p1 s10, $0x3;
	s17 =	sshll.u32 @!p1 s17, $0xE  }
0x2c: {  	s19 =	sand.u32 @!p1 $0xFF0000, s19;
	s20 =	sand.u32 @!p1 $0x380, s20;
	s17 =	sand.u32 @!p1 $0x4000, s17  }
0x2d: {  	s19 =	sadd.s32 @!p1 s19, s21;
	s21 =	sand.u32 @!p1 $0x1C00, s21;
	s18 =	sor.u32 @!p1 s20, s18  }
0x2e: {  	s20 =	sshll.u32 @!p1 s12, $0x15;
	s18 =	sor.u32 @!p1 s21, s18;
	s19 =	sshrl.u32 @!p1 s19, $0x3  }
0x2f: {  	s20 =	sadd.s32 @!p1 s4, s20;
	s21 =	sand.u32 @!p1 $0x7, s10;
	s19 =	sand.u32 @!p1 $0x1FFC00, s19  }
0x30: {  	s18 =	sshrl.u32 @!p1 s18, $0x3;
	s19 =	sadd.s32 @!p1 s19, s20;
	s20 =	sshll.u32 @!p1 s21, $0x12  }
0x31: {  	s18 =	sadd.s32 @!p1 s18, s19;
	s19 =	sor.u32 @!p1 $0x400, s20;
	s20 =	simm.s32 @!p1 $0x10000  }
0x32: {  	[tilespmem:s17], [sflag:$0x1] =	stream.strided.gather @!p1 [hbm4b:s18+s19], $0x4000, s20, s19, $0x38;
	[tilespmem:$0x10100] =	vst v63  }
0x33: {  	p1 =	sge.u32 s31, s7  }
.Ltmp2:
0x34: {  	_ = 	snop;
	(pc) =	sbr.rel @p1 .LBB1_5-.Ltmp2, $1  }
0x35: {  	_ =	sdelay $0x3  }
0x36: {  	s17 =	simm.s32 $0x1  }
0x37: {  	_ =	swait.ge [sflag:s6], $0x4000;
	s17 =	simm.s32 @!p0 $0x0  }
0x38: {  	[sflag:s6] =	ssyncset.done $0x0;
	s18 =	sshll.u32 s17, $0xE  }
0x39: {  	[sflag:s6] =	ssyncadd.s32 $0xFFFFC000;
	s19 =	sor.u32 $0x40, s18  }
0x3a: {  	s17 =	smul.u32 $0x10200, s17;
	v0 =	vld [tilespmem:s19+$0x30]  }
0x3b: {  	v3 =	vld [tilespmem:s19+$0xFFFFFFD0]  }
0x3c: {  	s17 =	sshrl.u32 s17, $0x2;
	v4 =	vld [tilespmem:s19+$0xFFFFFFE0]  }
0x3d: {  	v5 =	vld [tilespmem:s19+$0xFFFFFFF0];
	s18 =	sor.u32 $0x8000, s17  }
0x3e: {  	s31 =	sand.u32 $0x1, s13;
	v1 =	vld [tilespmem:s19+$0x0];
	s20 =	sadd.s32 $0x0, s18  }
0x3f: {  	v2 =	vld [tilespmem:s19+$0x10];
	s17 =	smul.u32 $0x10200, s31;
	[tilespmem:s20+$0x3870 ss:$0x81] =	vst.msk $0xffff, v0  }
0x40: {  	[tilespmem:s20+$0x810 ss:$0x81] =	vst.msk $0xffff, v3;
	v3 =	vld [tilespmem:s19+$0x20]  }
0x41: {  	s17 =	sshrl.u32 s17, $0x2;
	v0 =	vld [tilespmem:s19+$0xFFFFFFC0];
	[tilespmem:s20+$0x1020 ss:$0x81] =	vst.msk $0xffff, v4;
	s19 =	sadd.s32 $0x80, s19  }
0x42: {  	s21 =	simm.s32 $0x4;
	s22 =	simm.s32 $0x8;
	s17 =	sor.u32 $0x8000, s17;
	[tilespmem:s20+$0x1830 ss:$0x81] =	vst.msk $0xffff, v5;
	v4 =	vld [tilespmem:s19+$0x30]  }
.LBB1_3:
0x43: {  	p1 =	sne.s32 s22, $0x1FC;
	v5 =	vld [tilespmem:s19+$0xFFFFFFD0];
	[tilespmem:s20+$0x2040 ss:$0x81] =	vst.msk $0xffff, v1  }
0x44: {  	v6 =	vld [tilespmem:s19+$0xFFFFFFE0];
	[tilespmem:s20+$0x2850 ss:$0x81] =	vst.msk $0xffff, v2  }
0x45: {  	s23 =	sshra.s32 s21, $0x2;
	s21 =	smov.u32 s22;
	v7 =	vld [tilespmem:s19+$0xFFFFFFF0];
	[tilespmem:s20+$0x3060 ss:$0x81] =	vst.msk $0xffff, v3  }
.Ltmp3:
0x46: {  	v1 =	vld [tilespmem:s19+$0x0];
	[tilespmem:s20+$0x0 ss:$0x81] =	vst.msk $0xffff, v0;
	s20 =	sadd.s32 s23, s18;
	(pc) =	sbr.rel @p1 .LBB1_3-.Ltmp3, $4  }
0x47: {  	v2 =	vld [tilespmem:s19+$0x10];
	[tilespmem:s20+$0x3870 ss:$0x81] =	vst.msk $0xffff, v4  }
0x48: {  	[tilespmem:s20+$0x810 ss:$0x81] =	vst.msk $0xffff, v5;
	v3 =	vld [tilespmem:s19+$0x20]  }
0x49: {  	v0 =	vld [tilespmem:s19+$0xFFFFFFC0];
	[tilespmem:s20+$0x1020 ss:$0x81] =	vst.msk $0xffff, v6;
	s19 =	sadd.s32 $0x80, s19  }
0x4a: {  	s22 =	sadd.s32 $0x4, s22;
	v4 =	vld [tilespmem:s19+$0x30];
	[tilespmem:s20+$0x1830 ss:$0x81] =	vst.msk $0xffff, v7  }
.Ltmp4:
0x4b: {  	_ = 	snop;
	(pc) =	sbr.rel .LBB1_4-.Ltmp4, $1  }
0x4c: {  	_ =	sdelay $0x3  }
.LBB1_6:
0x4d: {  	_ =	sfence.sel $0x180000  }
0x4e: {  	s1 =	simm.s32 $0x1;
	[bflag:$0x0] =	sbarrier.arrive $0xFFFF  }
0x4f: {  	s31 =	simm.s32 $0x2;
	[sflag:s1] =	ssyncpa.u1 $0x1  }
0x50: {  	[sflag:s31] =	ssyncpa.u1 $0x1  }
0x51: {  	p0 =	sne.s32 s0, $0x0;
	_ =	strace $0x9000004A  }
0x52: {  	s0 =	sadd.s32 @!p0 $0x100000, s3;
	[bflag:$0x2] =	sbarrier.arrive $0xFFFF  }
0x53: {  	[sflag:s0] =	ssyncadd.tile.s32 @!p0 $0x1;
	_ =	shalt  }
.Lfunc_end1:
_tile_overlayer_lowered:
.L_overlay_start_2:
0x54: {  	(tag) =	ssettag $0x2  }
0x55: {  	s0 =	rddreg [dreg:$0x0];
	s2 =	stileid.u32  }
0x56: {  	s1 =	rddreg [dreg:$0x1];
	p0 =	sne.s32 s2, $0x0  }
0x57: {  	s3 =	rddreg [dreg:$0x2];
	[bflag:$0x3] =	sbarrier.arrive $0xFFFF;
	s2 =	simm.s32 @!p0 $0x1C01  }
0x58: {  	[timem:s3], [sflag:s2] =	dma.local @!p0 [hbm:s0], s1  }
0x59: {  	s0 =	simm.s32 @!p0 $0x1  }
0x5a: {  	_ =	swait.ge @!p0 [sflag:s0], s1  }
0x5b: {  	s1 =	ssub.s32 @!p0 $0x0, s1;
	[sflag:s0] =	ssyncset.done @!p0 $0x0  }
0x5c: {  	[sflag:s0] =	ssyncadd.s32 @!p0 s1  }
0x5d: {  	[bflag:$0x3] =	sbarrier.arrive $0xFFFF  }
0x5e: {  	_ =	shalt  }

// kernel: sparse-core-data-format-call.cloned.1.call-start
scs
called_computation_lowered:
.L_overlay_start_0:
0x0: {  	s2 =	sld [smem:$0x3FD9]  }
0x1: {  	s3 =	sld [smem:$0x3FFE];
	_ =	sdelay $0x1  }
0x2: {  	s1 =	srdreg.scid  }
0x3: {  	s0 =	sand.u32 $0x1, s1  }
0x4: {  	s18 =	sshll.u32 s0, $0xA;
	s2 =	sadd.s32 s3, s2  }
0x5: {  	s2 =	sadd.s32 s2, s18  }
0x6: {  	[smem:$0x3FC0] =	sst s2  }
0x7: {  	_ = 	snop  }
0x8: {  	(tm) =	ssettm $0x1  }
0x9: {  	s19 =	sld [smem:$0x3FFB];
	_ =	sdelay $0x3  }
0xa: {  	_ =	strace s19  }
0xb: {  	s2 =	sld [smem:$0x3FFC];
	_ =	sdelay $0x3  }
0xc: {  	_ =	strace s2  }
0xd: {  	s2 =	sld [smem:$0x3FFD];
	_ =	sdelay $0x3  }
0xe: {  	_ =	strace s2  }
0xf: {  	_ =	strace $0x8FFFFFFF  }
0x10: {  	s20 =	sld [smem:$0x3FDB];
	_ =	sdelay $0x1  }
0x11: {  	s21 =	simm.s32 $_scs_section_size  }
0x12: {  	s4 =	simm.s32 $_size__tile_overlayer_lowered;
	s5 =	simm.s32 $_tile_overlayer_lowered  }
0x13: {  	s6 =	simm.s32 $0x1BFF;
	s22 =	sshll.u32 s5, $0x1;
	s3 =	sadd.s32 s21, s20  }
0x14: {  	s23 =	simm.s32 $0x0;
	s4 =	sshll.u32 s4, $0x1;
	s5 =	sadd.s32 s22, s3  }
0x15: {  	[timem:s23], [sflag:s6] =	dma.local [hbm:s5], s4  }
0x16: {  	_ =	swait.ge [sflag:s6], s4  }
0x17: {  	s4 =	ssub.s32 $0x0, s4;
	[sflag:s6] =	ssyncset.done $0x0  }
0x18: {  	[sflag:s6] =	ssyncadd.s32 s4;
	_ =	sdelay $0x1  }
0x19: {  	s24 =	simm.s32 $0x1B8B  }
0x1a: {  	_ =	swait.ge [sflag:s24], $0x1  }
0x1b: {  	[sflag:s24] =	ssyncset.done $0x0  }
0x1c: {  	[sflag:s24] =	ssyncadd.s32 $0xFFFFFFFF  }
0x1d: {  	s4 =	sld [smem:$0x0]  }
0x1e: {  	s5 =	sand.u32 $0xFFFFFFFE, s1  }
0x1f: {  	p0 =	sne.s32 s1, s5  }
0x20: {  	s5 =	sshll.u32 @p0 s5, $0xE  }
0x21: {  	s5 =	sadd.s32 @p0 $0x11B8D, s5;
	s6 =	sshll.u32 @p0 s4, $0x11  }
0x22: {  	s5 =	sor.u32 @p0 s6, s5  }
0x23: {  	[sflag:s5] =	ssyncadd.remote.s32 @p0 $0x1;
	_ =	sdelay $0x1  }
0x24: {  	s5 =	simm.s32 @p0 $0x1B8D  }
0x25: {  	_ =	swait.eq @p0 [sflag:s5], $0x1  }
0x26: {  	[sflag:s5] =	ssyncadd.s32 @p0 $0xFFFFFFFF  }
0x27: {  	s6 =	sshll.u32 @!p0 s1, $0xE  }
0x28: {  	s6 =	sor.u32 @!p0 $0x4000, s6;
	s5 =	simm.s32 @!p0 $0x1B8D  }
0x29: {  	s4 =	sshll.u32 @!p0 s4, $0x11;
	s6 =	sadd.s32 @!p0 $0x11B8D, s6;
	_ =	swait.eq @!p0 [sflag:s5], $0x1  }
0x2a: {  	s4 =	sor.u32 @!p0 s4, s6;
	[sflag:s5] =	ssyncadd.s32 @!p0 $0xFFFFFFFF  }
0x2b: {  	s26 =	simm.s32 $0x1B8E;
	s25 =	sld [smem:$0x3FFE];
	[sflag:s4] =	ssyncadd.remote.s32 @!p0 $0x1  }
0x2c: {  	s27 =	simm.s32 $execute0_lowered;
	[smem:$0x3FD2] =	sst s26  }
0x2d: {  	s5 =	sshll.u32 s27, $0x1;
	_ =	strace $0x8000004C;
	[dreg:$0x1] =	wrdreg $0xFFFFFFFF  }
0x2e: {  	s28 =	simm.s32 $_size_execute0_lowered;
	s3 =	sadd.s32 s3, s5;
	[dreg:$0x0] =	wrdreg $0x0  }
0x2f: {  	s5 =	sshll.u32 s28, $0x1;
	[dreg:$0x2] =	wrdreg s3  }
0x30: {  	[dreg:$0x3] =	wrdreg s5  }
0x31: {  	[dreg:$0x4] =	wrdreg $0xC0  }
0x32: {  	_ =	task [dreg:s23], $0x5FFFF  }
0x33: {  	[dreg:$0x1] =	wrdreg $0xFFFFFFFF  }
0x34: {  	[dreg:$0x0] =	wrdreg $0x60  }
0x35: {  	[dreg:$0x2] =	wrdreg s25  }
0x36: {  	[dreg:$0x3] =	wrdreg $0x9  }
0x37: {  	_ =	task.clear_ibuf [dreg:s23], $0x4FFFF;
	_ =	strace $0x9000004C  }
0x38: {  	s29 =	simm.s32 $0x9;
	_ =	strace $0x8000004E  }
0x39: {  	_ =	swait.ge [sflag:s29], $0x1  }
0x3a: {  	[sflag:s29] =	ssyncadd.s32 $0xFFFFFFFF  }
0x3b: {  	_ =	strace $0x9000004E  }
0x3c: {  	_ =	sfence  }
0x3d: {  	s30 =	sld [smem:$0x0];
	_ =	sdelay $0x2  }
0x3e: {  	s31 =	sshll.u32 s1, $0xD;
	s1 =	sshrl.u32 s1, $0x2  }
0x3f: {  	s4 =	sand.u32 $0x4000, s31;
	s1 =	sadd.s32 s1, s30  }
0x40: {  	s0 =	sor.u32 s4, s0;
	s1 =	sshll.u32 s1, $0x11  }
0x41: {  	s0 =	sor.u32 s1, s0  }
0x42: {  	s0 =	sadd.s32 $0x8F2B, s0  }
0x43: {  	[sflag:s0] =	ssyncadd.remote.s32 $0x1  }
0x44: {  	_ =	sfence.sel $0xFFFF  }
0x45: {  	[dreg:$0x0] =	wrdreg $0xFFFFFFFF;
	(pc) =	sbr.abs _section_cstart, $3  }
0x46: {  	[dreg:$0x1] =	wrdreg $0xFFFFFFFF  }
0x47: {  	_ =	task.clear_ibuf [dreg:s23], $0x2FFFF;
	_ =	strace $0x9FFFFFFF  }
0x48: {  	(tm) =	ssettm $0x7FFFFFFF  }
0x49: {  	_ =	shalt  }
tec
execute0_lowered:
.L_overlay_start_1:
0x0: {  	(tag) =	ssettag $0x1  }
0x1: {  	s0 =	stileid.u32  }
0x2: {  	s1 =	srdreg.scid;
	s5 =	rddreg [dreg:$0x0];
	s31 =	simm.s32 $0x2  }
0x3: {  	s16 =	simm.s32 $0x0;
	s2 =	sshll.u32 s0, $0x6;
	s1 =	sshll.u32 s1, $0xA  }
0x4: {  	s9 =	simm.s32 $0x4000;
	s14 =	simm.s32 $0x0;
	s1 =	sor.u32 s2, s1  }
0x5: {  	s15 =	simm.s32 $0x0;
	s10 =	simm.s32 $0x0;
	s1 =	sand.u32 $0x780, s1  }
0x6: {  	s13 =	simm.s32 $0x0;
	s2 =	sand.u32 $0x1, s0;
	s3 =	ssub.s32 $0x800, s1  }
0x7: {  	s4 =	ssub.s32 $0x2, s2;
	s12 =	smov.u32 s2;
	s6 =	sand.u32 $0x780, s3  }
0x8: {  	s7 =	sshrl.u32 s4, $0x1;
	p0 =	sne.s32 s6, $0x0;
	s6 =	simm.s32 $0x1  }
0x9: {  	s4 =	sand.u32 $0x1, s4;
	s8 =	sshrl.u32 s3, $0xB;
	s6 =	simm.s32 @!p0 $0x0  }
.Ltmp0:
0xa: {  	s4 =	sadd.s32 s4, s7;
	s6 =	sadd.s32 s6, s8;
	(pc) =	sbr.rel .LBB1_1-.Ltmp0, $4  }
0xb: {  	s11 =	smov.u32 s1;
	s3 =	rddreg [dreg:$0x1];
	s7 =	smul.u32 s6, s4  }
0xc: {  	_ =	strace $0x8000004D;
	p0 =	por $0x0, $0x0;
	s6 =	simm.s32 $0x1  }
0xd: {  	s4 =	sadd.s32 $0x1120400, s5;
	[sflag:s6] =	ssyncpa.u1 $0x0;
	s7 =	sshll.u32 s7, $0x6  }
0xe: {  	s5 =	sadd.s32 $0x1520400, s5;
	[sflag:s31] =	ssyncpa.u1 $0x0;
	s8 =	sor.u32 $0x1, s7  }
.LBB1_4:
0xf: {  	v5 =	vld [tilespmem:s19+$0xFFFFFFD0]  }
0x10: {  	[tilespmem:s20+$0x2040 ss:$0x81] =	vst.msk $0xffff, v1;
	v58 =	vld [tilespmem:s19+$0xFFFFFFE0]  }
0x11: {  	[tilespmem:s20+$0x2850 ss:$0x81] =	vst.msk $0xffff, v2;
	v59 =	vld [tilespmem:s19+$0xFFFFFFF0]  }
0x12: {  	s21 =	sshra.s32 s21, $0x2;
	[tilespmem:s20+$0x3060 ss:$0x81] =	vst.msk $0xffff, v3;
	v60 =	vld [tilespmem:s19+$0x0]  }
0x13: {  	[tilespmem:s20+$0x0 ss:$0x81] =	vst.msk $0xffff, v0;
	v61 =	vld [tilespmem:s19+$0x10];
	s18 =	sadd.s32 s21, s18  }
0x14: {  	s26 =	sshll.u32 s16, $0xB;
	v62 =	vld [tilespmem:s19+$0x20];
	[tilespmem:s18+$0x3870 ss:$0x81] =	vst.msk $0xffff, v4  }
0x15: {  	s27 =	sand.u32 $0x78, s14;
	s22 =	sshll.u32 s14, $0x3;
	v63 =	vld [tilespmem:s19+$0xFFFFFFC0];
	s29 =	sshll.u32 s16, $0x7;
	[tilespmem:s18+$0x810 ss:$0x81] =	vst.msk $0xffff, v5  }
0x16: {  	s15 =	sshll.u32 s15, $0x15;
	s20 =	sand.u32 $0xFFC000, s26;
	s28 =	sand.u32 $0xFFFC00, s22;
	[tilespmem:s18+$0x1020 ss:$0x81] =	vst.msk $0xffff, v58  }
0x17: {  	s31 =	sand.u32 $0x7, s14;
	s22 =	sand.u32 $0x400, s22;
	s19 =	sadd.s32 s28, s20;
	[tilespmem:s18+$0x1830 ss:$0x81] =	vst.msk $0xffff, v59  }
0x18: {  	s16 =	sand.u32 $0x380, s29;
	s30 =	sor.u32 s27, s22;
	s19 =	sshrl.u32 s19, $0x3;
	[tilespmem:s18+$0x2040 ss:$0x81] =	vst.msk $0xffff, v60  }
0x19: {  	s15 =	sadd.s32 s5, s15;
	s16 =	sor.u32 s16, s30;
	s19 =	sand.u32 $0x1FFF00, s19;
	[tilespmem:s18+$0x2850 ss:$0x81] =	vst.msk $0xffff, v61  }
0x1a: {  	s14 =	sshll.u32 s31, $0x12;
	s16 =	sshrl.u32 s16, $0x3;
	[tilespmem:s18+$0x3060 ss:$0x81] =	vst.msk $0xffff, v62;
	s15 =	sadd.s32 s19, s15  }
0x1b: {  	s14 =	sor.u32 $0x400, s14;
	[tilespmem:s18+$0x0 ss:$0x81] =	vst.msk $0xffff, v63;
	s15 =	sadd.s32 s16, s15  }
0x1c: {  	[hbm4b:s15+s14] =	stream.strided.scatter [tilespmem:s17], [sflag:$0x2], $0x4000, s9, s14, $0x20;
	[tilespmem:$0x10100] =	vst v63  }
.LBB1_5:
0x1d: {  	s17 =	sadd.s32 $0x80, s10  }
0x1e: {  	s14 =	sadd.s32 $0x800, s11;
	s18 =	smov.u32 s11;
	p2 =	sgt.s32 s17, $0x1FFF  }
0x1f: {  	s18 =	smov.u32 @p2 s14  }
0x20: {  	s20 =	smov.u32 s12;
	s14 =	sadd.s32 $0x2, s12;
	p3 =	sgt.s32 s18, $0x7FF  }
0x21: {  	s20 =	smov.u32 @p3 s14  }
0x22: {  	s17 =	simm.s32 @p2 $0x0;
	p2 =	sgt.s32 s20, $0x1  }
0x23: {  	p1 =	slt.u32 s13, $0x2;
	s20 =	smov.u32 @p2 s2;
	p2 =	sne.s32 s13, s8  }
.Ltmp1:
0x24: {  	s19 =	simm.s32 @!p1 $0x2;
	(pc) =	sbr.rel @!p2 .LBB1_6-.Ltmp1, $4  }
0x25: {  	s16 =	smov.u32 s10;
	s15 =	smov.u32 s12;
	_ =	swait.ge @!p1 [sflag:s19], $0x4000  }
0x26: {  	p0 =	por !p0, !p0;
	[sflag:s19] =	ssyncset.done @!p1 $0x0;
	s10 =	smov.u32 s17  }
0x27: {  	s18 =	smov.u32 @p3 s1;
	s14 =	smov.u32 s11;
	[sflag:s19] =	ssyncadd.s32 @!p1 $0xFFFFC000  }
0x28: {  	s11 =	smov.u32 s18;
	s13 =	sadd.s32 $0x1, s13;
	s12 =	smov.u32 s20  }
.LBB1_1:
0x29: {  	p1 =	sge.u32 s13, s7;
	s31 =	sadd.s32 $0xFFFFFFFF, s13  }
0x2a: {  	s17 =	sxor.u32 @!p1 $0xFFFFFFFF, s13;
	s18 =	sand.u32 @!p1 $0x78, s10;
	s19 =	sshll.u32 @!p1 s11, $0xD  }
0x2b: {  	s20 =	sshll.u32 @!p1 s11, $0x7;
	s21 =	sshll.u32 @!p1 s10, $0x3;
	s17 =	sshll.u32 @!p1 s17, $0xE  }
0x2c: {  	s19 =	sand.u32 @!p1 $0xFF0000, s19;
	s20 =	sand.u32 @!p1 $0x380, s20;
	s17 =	sand.u32 @!p1 $0x4000, s17  }
0x2d: {  	s19 =	sadd.s32 @!p1 s19, s21;
	s21 =	sand.u32 @!p1 $0x1C00, s21;
	s18 =	sor.u32 @!p1 s20, s18  }
0x2e: {  	s20 =	sshll.u32 @!p1 s12, $0x15;
	s18 =	sor.u32 @!p1 s21, s18;
	s19 =	sshrl.u32 @!p1 s19, $0x3  }
0x2f: {  	s20 =	sadd.s32 @!p1 s4, s20;
	s21 =	sand.u32 @!p1 $0x7, s10;
	s19 =	sand.u32 @!p1 $0x1FFC00, s19  }
0x30: {  	s18 =	sshrl.u32 @!p1 s18, $0x3;
	s19 =	sadd.s32 @!p1 s19, s20;
	s20 =	sshll.u32 @!p1 s21, $0x12  }
0x31: {  	s18 =	sadd.s32 @!p1 s18, s19;
	s19 =	sor.u32 @!p1 $0x400, s20;
	s20 =	simm.s32 @!p1 $0x10000  }
0x32: {  	[tilespmem:s17], [sflag:$0x1] =	stream.strided.gather @!p1 [hbm4b:s18+s19], $0x4000, s20, s19, $0x38;
	[tilespmem:$0x10100] =	vst v63  }
0x33: {  	p1 =	sge.u32 s31, s7  }
.Ltmp2:
0x34: {  	_ = 	snop;
	(pc) =	sbr.rel @p1 .LBB1_5-.Ltmp2, $1  }
0x35: {  	_ =	sdelay $0x3  }
0x36: {  	s17 =	simm.s32 $0x1  }
0x37: {  	_ =	swait.ge [sflag:s6], $0x4000;
	s17 =	simm.s32 @!p0 $0x0  }
0x38: {  	[sflag:s6] =	ssyncset.done $0x0;
	s18 =	sshll.u32 s17, $0xE  }
0x39: {  	[sflag:s6] =	ssyncadd.s32 $0xFFFFC000;
	s19 =	sor.u32 $0x40, s18  }
0x3a: {  	s17 =	smul.u32 $0x10200, s17;
	v0 =	vld [tilespmem:s19+$0x30]  }
0x3b: {  	v3 =	vld [tilespmem:s19+$0xFFFFFFD0]  }
0x3c: {  	s17 =	sshrl.u32 s17, $0x2;
	v4 =	vld [tilespmem:s19+$0xFFFFFFE0]  }
0x3d: {  	v5 =	vld [tilespmem:s19+$0xFFFFFFF0];
	s18 =	sor.u32 $0x8000, s17  }
0x3e: {  	s31 =	sand.u32 $0x1, s13;
	v1 =	vld [tilespmem:s19+$0x0];
	s20 =	sadd.s32 $0x0, s18  }
0x3f: {  	v2 =	vld [tilespmem:s19+$0x10];
	s17 =	smul.u32 $0x10200, s31;
	[tilespmem:s20+$0x3870 ss:$0x81] =	vst.msk $0xffff, v0  }
0x40: {  	[tilespmem:s20+$0x810 ss:$0x81] =	vst.msk $0xffff, v3;
	v3 =	vld [tilespmem:s19+$0x20]  }
0x41: {  	s17 =	sshrl.u32 s17, $0x2;
	v0 =	vld [tilespmem:s19+$0xFFFFFFC0];
	[tilespmem:s20+$0x1020 ss:$0x81] =	vst.msk $0xffff, v4;
	s19 =	sadd.s32 $0x80, s19  }
0x42: {  	s21 =	simm.s32 $0x4;
	s22 =	simm.s32 $0x8;
	s17 =	sor.u32 $0x8000, s17;
	[tilespmem:s20+$0x1830 ss:$0x81] =	vst.msk $0xffff, v5;
	v4 =	vld [tilespmem:s19+$0x30]  }
.LBB1_3:
0x43: {  	p1 =	sne.s32 s22, $0x1FC;
	v5 =	vld [tilespmem:s19+$0xFFFFFFD0];
	[tilespmem:s20+$0x2040 ss:$0x81] =	vst.msk $0xffff, v1  }
0x44: {  	v6 =	vld [tilespmem:s19+$0xFFFFFFE0];
	[tilespmem:s20+$0x2850 ss:$0x81] =	vst.msk $0xffff, v2  }
0x45: {  	s23 =	sshra.s32 s21, $0x2;
	s21 =	smov.u32 s22;
	v7 =	vld [tilespmem:s19+$0xFFFFFFF0];
	[tilespmem:s20+$0x3060 ss:$0x81] =	vst.msk $0xffff, v3  }
.Ltmp3:
0x46: {  	v1 =	vld [tilespmem:s19+$0x0];
	[tilespmem:s20+$0x0 ss:$0x81] =	vst.msk $0xffff, v0;
	s20 =	sadd.s32 s23, s18;
	(pc) =	sbr.rel @p1 .LBB1_3-.Ltmp3, $4  }
0x47: {  	v2 =	vld [tilespmem:s19+$0x10];
	[tilespmem:s20+$0x3870 ss:$0x81] =	vst.msk $0xffff, v4  }
0x48: {  	[tilespmem:s20+$0x810 ss:$0x81] =	vst.msk $0xffff, v5;
	v3 =	vld [tilespmem:s19+$0x20]  }
0x49: {  	v0 =	vld [tilespmem:s19+$0xFFFFFFC0];
	[tilespmem:s20+$0x1020 ss:$0x81] =	vst.msk $0xffff, v6;
	s19 =	sadd.s32 $0x80, s19  }
0x4a: {  	s22 =	sadd.s32 $0x4, s22;
	v4 =	vld [tilespmem:s19+$0x30];
	[tilespmem:s20+$0x1830 ss:$0x81] =	vst.msk $0xffff, v7  }
.Ltmp4:
0x4b: {  	_ = 	snop;
	(pc) =	sbr.rel .LBB1_4-.Ltmp4, $1  }
0x4c: {  	_ =	sdelay $0x3  }
.LBB1_6:
0x4d: {  	_ =	sfence.sel $0x180000  }
0x4e: {  	s1 =	simm.s32 $0x1;
	[bflag:$0x0] =	sbarrier.arrive $0xFFFF  }
0x4f: {  	s31 =	simm.s32 $0x2;
	[sflag:s1] =	ssyncpa.u1 $0x1  }
0x50: {  	[sflag:s31] =	ssyncpa.u1 $0x1  }
0x51: {  	p0 =	sne.s32 s0, $0x0;
	_ =	strace $0x9000004D  }
0x52: {  	s0 =	sadd.s32 @!p0 $0x100000, s3;
	[bflag:$0x2] =	sbarrier.arrive $0xFFFF  }
0x53: {  	[sflag:s0] =	ssyncadd.tile.s32 @!p0 $0x1;
	_ =	shalt  }
.Lfunc_end1:
_tile_overlayer_lowered:
.L_overlay_start_2:
0x54: {  	(tag) =	ssettag $0x2  }
0x55: {  	s0 =	rddreg [dreg:$0x0];
	s2 =	stileid.u32  }
0x56: {  	s1 =	rddreg [dreg:$0x1];
	p0 =	sne.s32 s2, $0x0  }
0x57: {  	s3 =	rddreg [dreg:$0x2];
	[bflag:$0x3] =	sbarrier.arrive $0xFFFF;
	s2 =	simm.s32 @!p0 $0x1C01  }
0x58: {  	[timem:s3], [sflag:s2] =	dma.local @!p0 [hbm:s0], s1  }
0x59: {  	s0 =	simm.s32 @!p0 $0x1  }
0x5a: {  	_ =	swait.ge @!p0 [sflag:s0], s1  }
0x5b: {  	s1 =	ssub.s32 @!p0 $0x0, s1;
	[sflag:s0] =	ssyncset.done @!p0 $0x0  }
0x5c: {  	[sflag:s0] =	ssyncadd.s32 @!p0 s1  }
0x5d: {  	[bflag:$0x3] =	sbarrier.arrive $0xFFFF  }
0x5e: {  	_ =	shalt  }

</sc_bundles>
